<compile_context>
chip_gen: v7x
topology: tpu7x:2x2x1
jax: 0.10.2.dev20260603
libtpu: 0.0.44.dev20260713+nightly
codegen_flags: <defaults>
</compile_context>

<pallas_src>
import jax
import jax.numpy as jnp
from jax import lax
from jax.experimental import pallas as pl
from jax.experimental.pallas import tpu as pltpu
from jax.experimental.pallas import tpu_sc as plsc

D = 65536
NNZ = 4194304
NUM_LINKS = 65536

NC, NS, L = 2, 16, 16
NW = NC * NS
PER_W = NNZ // NW
CHUNK = 4096
NCHUNK = PER_W // CHUNK


def _q_body(mean_ref, std_ref, eps_ref, out_ref):
    q = eps_ref[...] * jnp.exp(std_ref[...]) + jnp.exp(mean_ref[...])
    u = jax.lax.bitcast_convert_type(q, jnp.uint32)
    r = (u + jnp.uint32(0x7FFF) + ((u >> 16) & jnp.uint32(1))) >> 16
    lo = r[0:256, :]
    hi = r[256:512, :]
    out_ref[...] = jax.lax.bitcast_convert_type((hi << 16) | lo, jnp.int32)


def _reduce_body(p_ref, o_ref):
    o_ref[...] = jnp.sum(p_ref[...], axis=0, keepdims=True)


def _spmv_body(qp_hbm, vals_hbm, rows_hbm, cols_hbm, out_hbm,
               qp, acc, vbuf0, rbuf0, cbuf0, vbuf1, rbuf1, cbuf1,
               sem0, sem1):
    wid = lax.axis_index("s") * NC + lax.axis_index("c")
    base = wid * PER_W
    bufs = ((vbuf0, rbuf0, cbuf0, sem0), (vbuf1, rbuf1, cbuf1, sem1))

    def fire(off, b):
        vb, rb, cb, sem = bufs[b]
        pltpu.async_copy(vals_hbm.at[pl.ds(off, CHUNK)], vb, sem)
        pltpu.async_copy(rows_hbm.at[pl.ds(off, CHUNK)], rb, sem)
        pltpu.async_copy(cols_hbm.at[pl.ds(off, CHUNK)], cb, sem)

    def drain(b):
        vb, rb, cb, sem = bufs[b]
        pltpu.make_async_copy(vals_hbm.at[pl.ds(0, CHUNK)], vb, sem).wait()
        pltpu.make_async_copy(rows_hbm.at[pl.ds(0, CHUNK)], rb, sem).wait()
        pltpu.make_async_copy(cols_hbm.at[pl.ds(0, CHUNK)], cb, sem).wait()

    def compute(b):
        vb, rb, cb, _ = bufs[b]

        @plsc.parallel_loop(0, CHUNK // L, unroll=4)
        def _inner(i):
            sl = pl.ds(i * L, L)
            cols = cb[sl]
            w = plsc.load_gather(qp, [cols & 32767])
            sh = (cols >> 11) & 16
            qv = plsc.bitcast(lax.shift_right_logical(w, sh) << 16,
                              jnp.float32)
            plsc.addupdate_scatter(acc, [rb[sl]], vb[sl] * qv)

    fire(base, 0)
    pltpu.sync_copy(qp_hbm, qp)

    @plsc.parallel_loop(0, NUM_LINKS // L, unroll=8)
    def _zero(i):
        acc[pl.ds(i * L, L)] = jnp.zeros((L,), jnp.float32)

    def chunk_body(k, carry):
        fire(base + (2 * k + 1) * CHUNK, 1)
        drain(0)
        compute(0)

        @pl.when(k < NCHUNK // 2 - 1)
        def _():
            fire(base + (2 * k + 2) * CHUNK, 0)
        drain(1)
        compute(1)
        return carry
    lax.fori_loop(0, NCHUNK // 2, chunk_body, 0)
    pltpu.sync_copy(acc, out_hbm.at[wid])


_spmv = pl.kernel(
    _spmv_body,
    out_type=jax.ShapeDtypeStruct((NW, NUM_LINKS), jnp.float32),
    mesh=plsc.VectorSubcoreMesh(
        core_axis_name="c", subcore_axis_name="s",
        num_cores=NC, num_subcores=NS),
    scratch_types=[
        pltpu.VMEM((D // 2,), jnp.int32),
        pltpu.VMEM((NUM_LINKS,), jnp.float32),
        pltpu.VMEM((CHUNK,), jnp.float32),
        pltpu.VMEM((CHUNK,), jnp.int32),
        pltpu.VMEM((CHUNK,), jnp.int32),
        pltpu.VMEM((CHUNK,), jnp.float32),
        pltpu.VMEM((CHUNK,), jnp.int32),
        pltpu.VMEM((CHUNK,), jnp.int32),
        pltpu.SemaphoreType.DMA,
        pltpu.SemaphoreType.DMA,
    ],
    compiler_params=pltpu.CompilerParams(needs_layout_passes=False),
)


def kernel(log_od_mean, log_od_std, eps, rho_vals, rho_rows, rho_cols):
    mean2d = log_od_mean.reshape(512, 128)
    std2d = log_od_std.reshape(512, 128)
    eps2d = eps.reshape(512, 128)
    qp = pl.pallas_call(
        _q_body,
        out_shape=jax.ShapeDtypeStruct((256, 128), jnp.int32),
    )(mean2d, std2d, eps2d).reshape(D // 2)

    partials = _spmv(qp, rho_vals, rho_rows, rho_cols)

    out = pl.pallas_call(
        _reduce_body,
        grid=(2,),
        in_specs=[pl.BlockSpec((NW, 32768), lambda i: (0, i))],
        out_specs=pl.BlockSpec((1, 32768), lambda i: (0, i)),
        out_shape=jax.ShapeDtypeStruct((1, NUM_LINKS), jnp.float32),
    )(partials)
    return out.reshape(NUM_LINKS, 1)

# --- scband reference (transcript-rebuilt; emitter-appended) ---
"""Pipeline reference for scband-torch-dode-46643344835151 (READ-ONLY COPY).

The authoritative reference and input builder live on the scoring server;
editing this copy changes nothing except your own understanding.
"""

import jax, jax.numpy as jnp
import numpy as np

NUM_ODS = 16384
NUM_INTS = 4
D = NUM_ODS * NUM_INTS  # 65536 OD_flow_dims
NNZ = 4194304
NUM_LINKS = 65536


def setup_inputs(seed: int = 0) -> dict:
    key = jax.random.key(seed)
    k1, k2, k3, k4, k5, k6 = jax.random.split(key, 6)
    # xavier_uniform on a (D, 1) tensor: bound = sqrt(6 / (D + 1)); init() takes abs
    bound = float(np.sqrt(6.0 / (D + 1)))
    log_od_mean = jnp.abs(jax.random.uniform(k1, (D, 1), minval=-bound, maxval=bound, dtype=jnp.float32)) * 1.0
    log_od_std = jnp.abs(jax.random.uniform(k2, (D, 1), minval=-bound, maxval=bound, dtype=jnp.float32)) * 1.0
    # eps replaces torch.randn_like inside reparameterize (made explicit for determinism)
    eps = jax.random.normal(k3, (D, 1), dtype=jnp.float32)
    # sparse route-link incidence matrix rho in COO format: [NUM_LINKS, D]
    rho_vals = jax.random.uniform(k4, (NNZ,), dtype=jnp.float32)
    rho_rows = jax.random.randint(k5, (NNZ,), 0, NUM_LINKS)
    rho_cols = jax.random.randint(k6, (NNZ,), 0, D)
    return {
        "log_od_mean": log_od_mean,
        "log_od_std": log_od_std,
        "eps": eps,
        "rho_vals": rho_vals,
        "rho_rows": rho_rows,
        "rho_cols": rho_cols,
    }


def reference(log_od_mean, log_od_std, eps, rho_vals, rho_rows, rho_cols):
    # reparameterize: q = eps * exp(log_std) + exp(log_mu)   -> generate_one_OD
    mu = jnp.exp(log_od_mean)
    std = jnp.exp(log_od_std)
    q = eps * std + mu  # [D, 1]
    # compute_link: new_x = sparse.mm(rho, q)  -> gather + scatter-add (SpMV)
    gathered = rho_vals * q[rho_cols, 0]  # [NNZ]
    new_x = jax.ops.segment_sum(gathered, rho_rows, num_segments=NUM_LINKS)
    return new_x.reshape(NUM_LINKS, 1)

if __name__ == "__main__":
    import jax
    _d = setup_inputs()
    print(jax.jit(kernel)(*tuple(_d.values())))

</pallas_src>

<mosaic_0001>
#map = affine_map<(d0, d1) -> (0)>
#map1 = affine_map<(d0, d1) -> (0, 0)>
module attributes {stable_mosaic.version = 14 : i64} {
  func.func @_spmv_body(%arg0: i32, %arg1: i32, %arg2: memref<32768xi32, #tpu.memory_space<hbm>>, %arg3: memref<4194304xf32, #tpu.memory_space<hbm>>, %arg4: memref<4194304xi32, #tpu.memory_space<hbm>>, %arg5: memref<4194304xi32, #tpu.memory_space<hbm>>, %arg6: memref<32x65536xf32, #tpu.memory_space<hbm>>, %arg7: memref<32768xi32, #tpu.memory_space<vmem>>, %arg8: memref<65536xf32, #tpu.memory_space<vmem>>, %arg9: memref<4096xf32, #tpu.memory_space<vmem>>, %arg10: memref<4096xi32, #tpu.memory_space<vmem>>, %arg11: memref<4096xi32, #tpu.memory_space<vmem>>, %arg12: memref<4096xf32, #tpu.memory_space<vmem>>, %arg13: memref<4096xi32, #tpu.memory_space<vmem>>, %arg14: memref<4096xi32, #tpu.memory_space<vmem>>, %arg15: memref<!tpu.dma_semaphore, #tpu.memory_space<semaphore_mem>>, %arg16: memref<!tpu.dma_semaphore, #tpu.memory_space<semaphore_mem>>) attributes {dimension_semantics = [#tpu.dimension_semantics<core_parallel>, #tpu.dimension_semantics<subcore_parallel>], iteration_bounds = array<i64: 2, 16>, scalar_prefetch = 0 : i64, scratch_operands = 10 : i64, tpu.core_type = #tpu.core_type<sc_vector_subcore>, window_params = [{transform_indices = #map}, {transform_indices = #map}, {transform_indices = #map}, {transform_indices = #map}, {transform_indices = #map1}]} {
    %mul3A = arith.constant 2 : i32
    %mul3A_0 = arith.muli %arg1, %mul3A : i32
    %add3A = arith.addi %mul3A_0, %arg0 : i32
    %mul3A_1 = arith.constant 131072 : i32
    %mul3A_2 = arith.muli %add3A, %mul3A_1 : i32
    %dma_start3A = tpu.memref_slice %arg3[%mul3A_2] : memref<4194304xf32, #tpu.memory_space<hbm>> -> memref<4096xf32, #tpu.memory_space<hbm>>
    %dma_start3A_3 = tpu.memref_slice %arg3[%mul3A_2] : memref<4194304xf32, #tpu.memory_space<hbm>> -> memref<4096xf32, #tpu.memory_space<hbm>>
    tpu.enqueue_dma source(%dma_start3A_3 : memref<4096xf32, #tpu.memory_space<hbm>>) target(%arg9 : memref<4096xf32, #tpu.memory_space<vmem>>) target_semaphore(%arg15 : memref<!tpu.dma_semaphore, #tpu.memory_space<semaphore_mem>>)
    %dma_start3A_4 = tpu.memref_slice %arg4[%mul3A_2] : memref<4194304xi32, #tpu.memory_space<hbm>> -> memref<4096xi32, #tpu.memory_space<hbm>>
    %dma_start3A_5 = tpu.memref_slice %arg4[%mul3A_2] : memref<4194304xi32, #tpu.memory_space<hbm>> -> memref<4096xi32, #tpu.memory_space<hbm>>
    tpu.enqueue_dma source(%dma_start3A_5 : memref<4096xi32, #tpu.memory_space<hbm>>) target(%arg10 : memref<4096xi32, #tpu.memory_space<vmem>>) target_semaphore(%arg15 : memref<!tpu.dma_semaphore, #tpu.memory_space<semaphore_mem>>)
    %dma_start3A_6 = tpu.memref_slice %arg5[%mul3A_2] : memref<4194304xi32, #tpu.memory_space<hbm>> -> memref<4096xi32, #tpu.memory_space<hbm>>
    %dma_start3A_7 = tpu.memref_slice %arg5[%mul3A_2] : memref<4194304xi32, #tpu.memory_space<hbm>> -> memref<4096xi32, #tpu.memory_space<hbm>>
    tpu.enqueue_dma source(%dma_start3A_7 : memref<4096xi32, #tpu.memory_space<hbm>>) target(%arg11 : memref<4096xi32, #tpu.memory_space<vmem>>) target_semaphore(%arg15 : memref<!tpu.dma_semaphore, #tpu.memory_space<semaphore_mem>>)
    "tpu.region"() ({
      %run_scoped3A = tpu.sem_alloc : memref<!tpu.dma_semaphore, #tpu.memory_space<semaphore_mem>>
      tpu.enqueue_dma source(%arg2 : memref<32768xi32, #tpu.memory_space<hbm>>) target(%arg7 : memref<32768xi32, #tpu.memory_space<vmem>>) target_semaphore(%run_scoped3A : memref<!tpu.dma_semaphore, #tpu.memory_space<semaphore_mem>>)
      tpu.wait_dma2 semaphore(%run_scoped3A : memref<!tpu.dma_semaphore, #tpu.memory_space<semaphore_mem>>) src(%arg2 : memref<32768xi32, #tpu.memory_space<hbm>>) dst(%arg7 : memref<32768xi32, #tpu.memory_space<vmem>>)
      tpu.yield
    }) : () -> ()
    %parallel_loop3A = arith.constant 0 : i32
    %parallel_loop3A_8 = arith.constant 4096 : i32
    %parallel_loop3A_9 = arith.constant 1 : i32
    scf.for %parallel_loop3A_15 = %parallel_loop3A to %parallel_loop3A_8 step %parallel_loop3A_9  : i32 {
      %parallel_loop3A_16 = arith.constant 0.000000e+00 : f32
      %parallel_loop3A_17 = vector.broadcast %parallel_loop3A_16 : f32 to vector<16xf32>
      %parallel_loop3A_18 = arith.constant 16 : i32
      %parallel_loop3A_19 = arith.muli %parallel_loop3A_15, %parallel_loop3A_18 : i32
      %parallel_loop3A_20 = arith.index_cast %parallel_loop3A_19 : i32 to index
      %parallel_loop3A_21 = tpu.vector_load %arg8[%parallel_loop3A_20] {strides = array<i32>} : memref<65536xf32, #tpu.memory_space<vmem>>, vector<16xf32>,
      tpu.vector_store %arg8[%parallel_loop3A_20], %parallel_loop3A_17 {strides = array<i32>} : memref<65536xf32, #tpu.memory_space<vmem>>, vector<16xf32>,
    } {sc.loop_unroll_factor = 8 : i64, sc.parallel_access}
    %scan3A = arith.constant 0 : i32
    %scan3A_10 = arith.constant 0 : i32
    %scan3A_11 = arith.constant 16 : i32
    %scan3A_12 = arith.addi %scan3A_10, %scan3A_11 : i32
    %scan3A_13 = arith.constant 1 : i32
    scf.for %scan3A_15 = %scan3A_10 to %scan3A_12 step %scan3A_13  : i32 {
      %mul3A_16 = arith.constant 2 : i32
      %mul3A_17 = arith.muli %mul3A_16, %scan3A_15 : i32
      %add3A_18 = arith.constant 1 : i32
      %add3A_19 = arith.addi %mul3A_17, %add3A_18 : i32
      %mul3A_20 = arith.constant 4096 : i32
      %mul3A_21 = arith.muli %add3A_19, %mul3A_20 : i32
      %add3A_22 = arith.addi %mul3A_2, %mul3A_21 : i32
      %dma_start3A_23 = tpu.memref_slice %arg3[%add3A_22] : memref<4194304xf32, #tpu.memory_space<hbm>> -> memref<4096xf32, #tpu.memory_space<hbm>>
      %dma_start3A_24 = tpu.memref_slice %arg3[%add3A_22] : memref<4194304xf32, #tpu.memory_space<hbm>> -> memref<4096xf32, #tpu.memory_space<hbm>>
      tpu.enqueue_dma source(%dma_start3A_24 : memref<4096xf32, #tpu.memory_space<hbm>>) target(%arg12 : memref<4096xf32, #tpu.memory_space<vmem>>) target_semaphore(%arg16 : memref<!tpu.dma_semaphore, #tpu.memory_space<semaphore_mem>>)
      %dma_start3A_25 = tpu.memref_slice %arg4[%add3A_22] : memref<4194304xi32, #tpu.memory_space<hbm>> -> memref<4096xi32, #tpu.memory_space<hbm>>
      %dma_start3A_26 = tpu.memref_slice %arg4[%add3A_22] : memref<4194304xi32, #tpu.memory_space<hbm>> -> memref<4096xi32, #tpu.memory_space<hbm>>
      tpu.enqueue_dma source(%dma_start3A_26 : memref<4096xi32, #tpu.memory_space<hbm>>) target(%arg13 : memref<4096xi32, #tpu.memory_space<vmem>>) target_semaphore(%arg16 : memref<!tpu.dma_semaphore, #tpu.memory_space<semaphore_mem>>)
      %dma_start3A_27 = tpu.memref_slice %arg5[%add3A_22] : memref<4194304xi32, #tpu.memory_space<hbm>> -> memref<4096xi32, #tpu.memory_space<hbm>>
      %dma_start3A_28 = tpu.memref_slice %arg5[%add3A_22] : memref<4194304xi32, #tpu.memory_space<hbm>> -> memref<4096xi32, #tpu.memory_space<hbm>>
      tpu.enqueue_dma source(%dma_start3A_28 : memref<4096xi32, #tpu.memory_space<hbm>>) target(%arg14 : memref<4096xi32, #tpu.memory_space<vmem>>) target_semaphore(%arg16 : memref<!tpu.dma_semaphore, #tpu.memory_space<semaphore_mem>>)
      %dma_wait3A = arith.constant 0 : i32
      %dma_wait3A_29 = tpu.memref_slice %arg3[%dma_wait3A] : memref<4194304xf32, #tpu.memory_space<hbm>> -> memref<4096xf32, #tpu.memory_space<hbm>>
      %dma_wait3A_30 = arith.constant 0 : i32
      %dma_wait3A_31 = tpu.memref_slice %arg3[%dma_wait3A_30] : memref<4194304xf32, #tpu.memory_space<hbm>> -> memref<4096xf32, #tpu.memory_space<hbm>>
      tpu.wait_dma2 semaphore(%arg15 : memref<!tpu.dma_semaphore, #tpu.memory_space<semaphore_mem>>) src(%dma_wait3A_31 : memref<4096xf32, #tpu.memory_space<hbm>>) dst(%arg9 : memref<4096xf32, #tpu.memory_space<vmem>>)
      %dma_wait3A_32 = arith.constant 0 : i32
      %dma_wait3A_33 = tpu.memref_slice %arg4[%dma_wait3A_32] : memref<4194304xi32, #tpu.memory_space<hbm>> -> memref<4096xi32, #tpu.memory_space<hbm>>
      %dma_wait3A_34 = arith.constant 0 : i32
      %dma_wait3A_35 = tpu.memref_slice %arg4[%dma_wait3A_34] : memref<4194304xi32, #tpu.memory_space<hbm>> -> memref<4096xi32, #tpu.memory_space<hbm>>
      tpu.wait_dma2 semaphore(%arg15 : memref<!tpu.dma_semaphore, #tpu.memory_space<semaphore_mem>>) src(%dma_wait3A_35 : memref<4096xi32, #tpu.memory_space<hbm>>) dst(%arg10 : memref<4096xi32, #tpu.memory_space<vmem>>)
      %dma_wait3A_36 = arith.constant 0 : i32
      %dma_wait3A_37 = tpu.memref_slice %arg5[%dma_wait3A_36] : memref<4194304xi32, #tpu.memory_space<hbm>> -> memref<4096xi32, #tpu.memory_space<hbm>>
      %dma_wait3A_38 = arith.constant 0 : i32
      %dma_wait3A_39 = tpu.memref_slice %arg5[%dma_wait3A_38] : memref<4194304xi32, #tpu.memory_space<hbm>> -> memref<4096xi32, #tpu.memory_space<hbm>>
      tpu.wait_dma2 semaphore(%arg15 : memref<!tpu.dma_semaphore, #tpu.memory_space<semaphore_mem>>) src(%dma_wait3A_39 : memref<4096xi32, #tpu.memory_space<hbm>>) dst(%arg11 : memref<4096xi32, #tpu.memory_space<vmem>>)
      %parallel_loop3A_40 = arith.constant 0 : i32
      %parallel_loop3A_41 = arith.constant 256 : i32
      %parallel_loop3A_42 = arith.constant 1 : i32
      scf.for %parallel_loop3A_60 = %parallel_loop3A_40 to %parallel_loop3A_41 step %parallel_loop3A_42  : i32 {
        %parallel_loop3A_61 = arith.constant 16 : i32
        %parallel_loop3A_62 = arith.muli %parallel_loop3A_60, %parallel_loop3A_61 : i32
        %parallel_loop3A_63 = arith.index_cast %parallel_loop3A_62 : i32 to index
        %parallel_loop3A_64 = tpu.vector_load %arg11[%parallel_loop3A_63] {strides = array<i32>} : memref<4096xi32, #tpu.memory_space<vmem>>, vector<16xi32>,
        %parallel_loop3A_65 = arith.constant 32767 : i32
        %parallel_loop3A_66 = vector.broadcast %parallel_loop3A_65 : i32 to vector<16xi32>
        %parallel_loop3A_67 = arith.andi %parallel_loop3A_64, %parallel_loop3A_66 : vector<16xi32>
        %parallel_loop3A_68 = tpu.vector_load_idx %arg7[%parallel_loop3A_67] : memref<32768xi32, #tpu.memory_space<vmem>>[vector<16xi32>], vector<16xi32>,
        %parallel_loop3A_69 = arith.constant 11 : i32
        %parallel_loop3A_70 = vector.broadcast %parallel_loop3A_69 : i32 to vector<16xi32>
        %parallel_loop3A_71 = arith.shrsi %parallel_loop3A_64, %parallel_loop3A_70 : vector<16xi32>
        %parallel_loop3A_72 = arith.constant 16 : i32
        %parallel_loop3A_73 = vector.broadcast %parallel_loop3A_72 : i32 to vector<16xi32>
        %parallel_loop3A_74 = arith.andi %parallel_loop3A_71, %parallel_loop3A_73 : vector<16xi32>
        %parallel_loop3A_75 = arith.shrui %parallel_loop3A_68, %parallel_loop3A_74 : vector<16xi32>
        %parallel_loop3A_76 = arith.constant 16 : i32
        %parallel_loop3A_77 = vector.broadcast %parallel_loop3A_76 : i32 to vector<16xi32>
        %parallel_loop3A_78 = arith.shli %parallel_loop3A_75, %parallel_loop3A_77 : vector<16xi32>
        %parallel_loop3A_79 = vector.bitcast %parallel_loop3A_78 : vector<16xi32> to vector<16xf32>
        %parallel_loop3A_80 = arith.index_cast %parallel_loop3A_62 : i32 to index
        %parallel_loop3A_81 = tpu.vector_load %arg10[%parallel_loop3A_80] {strides = array<i32>} : memref<4096xi32, #tpu.memory_space<vmem>>, vector<16xi32>,
        %parallel_loop3A_82 = arith.index_cast %parallel_loop3A_62 : i32 to index
        %parallel_loop3A_83 = tpu.vector_load %arg9[%parallel_loop3A_82] {strides = array<i32>} : memref<4096xf32, #tpu.memory_space<vmem>>, vector<16xf32>,
        %parallel_loop3A_84 = arith.mulf %parallel_loop3A_83, %parallel_loop3A_79 : vector<16xf32>
        tpu.vector_store_idx %arg8[%parallel_loop3A_81], %parallel_loop3A_84 {add = true} : memref<65536xf32, #tpu.memory_space<vmem>>[vector<16xi32>], vector<16xf32>,
      } {sc.loop_unroll_factor = 4 : i64, sc.parallel_access}
      %lt3A = arith.constant 15 : i32
      %lt3A_43 = arith.cmpi slt, %scan3A_15, %lt3A : i32
      %convert_element_type3A = arith.extui %lt3A_43 : i1 to i32
      %cond3A = arith.constant 0 : i32
      %cond3A_44 = arith.cmpi ne, %convert_element_type3A, %cond3A : i32
      scf.if %cond3A_44 {
        %mul3A_60 = arith.constant 2 : i32
        %mul3A_61 = arith.muli %mul3A_60, %scan3A_15 : i32
        %add3A_62 = arith.constant 2 : i32
        %add3A_63 = arith.addi %mul3A_61, %add3A_62 : i32
        %mul3A_64 = arith.constant 4096 : i32
        %mul3A_65 = arith.muli %add3A_63, %mul3A_64 : i32
        %add3A_66 = arith.addi %mul3A_2, %mul3A_65 : i32
        %dma_start3A_67 = tpu.memref_slice %arg3[%add3A_66] : memref<4194304xf32, #tpu.memory_space<hbm>> -> memref<4096xf32, #tpu.memory_space<hbm>>
        %dma_start3A_68 = tpu.memref_slice %arg3[%add3A_66] : memref<4194304xf32, #tpu.memory_space<hbm>> -> memref<4096xf32, #tpu.memory_space<hbm>>
        tpu.enqueue_dma source(%dma_start3A_68 : memref<4096xf32, #tpu.memory_space<hbm>>) target(%arg9 : memref<4096xf32, #tpu.memory_space<vmem>>) target_semaphore(%arg15 : memref<!tpu.dma_semaphore, #tpu.memory_space<semaphore_mem>>)
        %dma_start3A_69 = tpu.memref_slice %arg4[%add3A_66] : memref<4194304xi32, #tpu.memory_space<hbm>> -> memref<4096xi32, #tpu.memory_space<hbm>>
        %dma_start3A_70 = tpu.memref_slice %arg4[%add3A_66] : memref<4194304xi32, #tpu.memory_space<hbm>> -> memref<4096xi32, #tpu.memory_space<hbm>>
        tpu.enqueue_dma source(%dma_start3A_70 : memref<4096xi32, #tpu.memory_space<hbm>>) target(%arg10 : memref<4096xi32, #tpu.memory_space<vmem>>) target_semaphore(%arg15 : memref<!tpu.dma_semaphore, #tpu.memory_space<semaphore_mem>>)
        %dma_start3A_71 = tpu.memref_slice %arg5[%add3A_66] : memref<4194304xi32, #tpu.memory_space<hbm>> -> memref<4096xi32, #tpu.memory_space<hbm>>
        %dma_start3A_72 = tpu.memref_slice %arg5[%add3A_66] : memref<4194304xi32, #tpu.memory_space<hbm>> -> memref<4096xi32, #tpu.memory_space<hbm>>
        tpu.enqueue_dma source(%dma_start3A_72 : memref<4096xi32, #tpu.memory_space<hbm>>) target(%arg11 : memref<4096xi32, #tpu.memory_space<vmem>>) target_semaphore(%arg15 : memref<!tpu.dma_semaphore, #tpu.memory_space<semaphore_mem>>)
      } else {
      }
      %dma_wait3A_45 = arith.constant 0 : i32
      %dma_wait3A_46 = tpu.memref_slice %arg3[%dma_wait3A_45] : memref<4194304xf32, #tpu.memory_space<hbm>> -> memref<4096xf32, #tpu.memory_space<hbm>>
      %dma_wait3A_47 = arith.constant 0 : i32
      %dma_wait3A_48 = tpu.memref_slice %arg3[%dma_wait3A_47] : memref<4194304xf32, #tpu.memory_space<hbm>> -> memref<4096xf32, #tpu.memory_space<hbm>>
      tpu.wait_dma2 semaphore(%arg16 : memref<!tpu.dma_semaphore, #tpu.memory_space<semaphore_mem>>) src(%dma_wait3A_48 : memref<4096xf32, #tpu.memory_space<hbm>>) dst(%arg12 : memref<4096xf32, #tpu.memory_space<vmem>>)
      %dma_wait3A_49 = arith.constant 0 : i32
      %dma_wait3A_50 = tpu.memref_slice %arg4[%dma_wait3A_49] : memref<4194304xi32, #tpu.memory_space<hbm>> -> memref<4096xi32, #tpu.memory_space<hbm>>
      %dma_wait3A_51 = arith.constant 0 : i32
      %dma_wait3A_52 = tpu.memref_slice %arg4[%dma_wait3A_51] : memref<4194304xi32, #tpu.memory_space<hbm>> -> memref<4096xi32, #tpu.memory_space<hbm>>
      tpu.wait_dma2 semaphore(%arg16 : memref<!tpu.dma_semaphore, #tpu.memory_space<semaphore_mem>>) src(%dma_wait3A_52 : memref<4096xi32, #tpu.memory_space<hbm>>) dst(%arg13 : memref<4096xi32, #tpu.memory_space<vmem>>)
      %dma_wait3A_53 = arith.constant 0 : i32
      %dma_wait3A_54 = tpu.memref_slice %arg5[%dma_wait3A_53] : memref<4194304xi32, #tpu.memory_space<hbm>> -> memref<4096xi32, #tpu.memory_space<hbm>>
      %dma_wait3A_55 = arith.constant 0 : i32
      %dma_wait3A_56 = tpu.memref_slice %arg5[%dma_wait3A_55] : memref<4194304xi32, #tpu.memory_space<hbm>> -> memref<4096xi32, #tpu.memory_space<hbm>>
      tpu.wait_dma2 semaphore(%arg16 : memref<!tpu.dma_semaphore, #tpu.memory_space<semaphore_mem>>) src(%dma_wait3A_56 : memref<4096xi32, #tpu.memory_space<hbm>>) dst(%arg14 : memref<4096xi32, #tpu.memory_space<vmem>>)
      %parallel_loop3A_57 = arith.constant 0 : i32
      %parallel_loop3A_58 = arith.constant 256 : i32
      %parallel_loop3A_59 = arith.constant 1 : i32
      scf.for %parallel_loop3A_60 = %parallel_loop3A_57 to %parallel_loop3A_58 step %parallel_loop3A_59  : i32 {
        %parallel_loop3A_61 = arith.constant 16 : i32
        %parallel_loop3A_62 = arith.muli %parallel_loop3A_60, %parallel_loop3A_61 : i32
        %parallel_loop3A_63 = arith.index_cast %parallel_loop3A_62 : i32 to index
        %parallel_loop3A_64 = tpu.vector_load %arg14[%parallel_loop3A_63] {strides = array<i32>} : memref<4096xi32, #tpu.memory_space<vmem>>, vector<16xi32>,
        %parallel_loop3A_65 = arith.constant 32767 : i32
        %parallel_loop3A_66 = vector.broadcast %parallel_loop3A_65 : i32 to vector<16xi32>
        %parallel_loop3A_67 = arith.andi %parallel_loop3A_64, %parallel_loop3A_66 : vector<16xi32>
        %parallel_loop3A_68 = tpu.vector_load_idx %arg7[%parallel_loop3A_67] : memref<32768xi32, #tpu.memory_space<vmem>>[vector<16xi32>], vector<16xi32>,
        %parallel_loop3A_69 = arith.constant 11 : i32
        %parallel_loop3A_70 = vector.broadcast %parallel_loop3A_69 : i32 to vector<16xi32>
        %parallel_loop3A_71 = arith.shrsi %parallel_loop3A_64, %parallel_loop3A_70 : vector<16xi32>
        %parallel_loop3A_72 = arith.constant 16 : i32
        %parallel_loop3A_73 = vector.broadcast %parallel_loop3A_72 : i32 to vector<16xi32>
        %parallel_loop3A_74 = arith.andi %parallel_loop3A_71, %parallel_loop3A_73 : vector<16xi32>
        %parallel_loop3A_75 = arith.shrui %parallel_loop3A_68, %parallel_loop3A_74 : vector<16xi32>
        %parallel_loop3A_76 = arith.constant 16 : i32
        %parallel_loop3A_77 = vector.broadcast %parallel_loop3A_76 : i32 to vector<16xi32>
        %parallel_loop3A_78 = arith.shli %parallel_loop3A_75, %parallel_loop3A_77 : vector<16xi32>
        %parallel_loop3A_79 = vector.bitcast %parallel_loop3A_78 : vector<16xi32> to vector<16xf32>
        %parallel_loop3A_80 = arith.index_cast %parallel_loop3A_62 : i32 to index
        %parallel_loop3A_81 = tpu.vector_load %arg13[%parallel_loop3A_80] {strides = array<i32>} : memref<4096xi32, #tpu.memory_space<vmem>>, vector<16xi32>,
        %parallel_loop3A_82 = arith.index_cast %parallel_loop3A_62 : i32 to index
        %parallel_loop3A_83 = tpu.vector_load %arg12[%parallel_loop3A_82] {strides = array<i32>} : memref<4096xf32, #tpu.memory_space<vmem>>, vector<16xf32>,
        %parallel_loop3A_84 = arith.mulf %parallel_loop3A_83, %parallel_loop3A_79 : vector<16xf32>
        tpu.vector_store_idx %arg8[%parallel_loop3A_81], %parallel_loop3A_84 {add = true} : memref<65536xf32, #tpu.memory_space<vmem>>[vector<16xi32>], vector<16xf32>,
      } {sc.loop_unroll_factor = 4 : i64, sc.parallel_access}
    }
    %scan3A_14 = arith.constant 16 : i32
    "tpu.region"() ({
      %run_scoped3A = tpu.sem_alloc : memref<!tpu.dma_semaphore, #tpu.memory_space<semaphore_mem>>
      %dma_start3A_15 = arith.constant 0 : i32
      %dma_start3A_16 = tpu.memref_slice %arg6[%add3A, %dma_start3A_15] : memref<32x65536xf32, #tpu.memory_space<hbm>> -> memref<1x65536xf32, #tpu.memory_space<hbm>>
      %dma_start3A_17 = tpu.memref_squeeze %dma_start3A_16 : memref<1x65536xf32, #tpu.memory_space<hbm>> -> memref<65536xf32, #tpu.memory_space<hbm>>
      %dma_start3A_18 = arith.constant 0 : i32
      %dma_start3A_19 = tpu.memref_slice %arg6[%add3A, %dma_start3A_18] : memref<32x65536xf32, #tpu.memory_space<hbm>> -> memref<1x65536xf32, #tpu.memory_space<hbm>>
      %dma_start3A_20 = tpu.memref_squeeze %dma_start3A_19 : memref<1x65536xf32, #tpu.memory_space<hbm>> -> memref<65536xf32, #tpu.memory_space<hbm>>
      tpu.enqueue_dma source(%arg8 : memref<65536xf32, #tpu.memory_space<vmem>>) target(%dma_start3A_20 : memref<65536xf32, #tpu.memory_space<hbm>>) target_semaphore(%run_scoped3A : memref<!tpu.dma_semaphore, #tpu.memory_space<semaphore_mem>>)
      %dma_wait3A = arith.constant 0 : i32
      %dma_wait3A_21 = tpu.memref_slice %arg6[%add3A, %dma_wait3A] : memref<32x65536xf32, #tpu.memory_space<hbm>> -> memref<1x65536xf32, #tpu.memory_space<hbm>>
      %dma_wait3A_22 = tpu.memref_squeeze %dma_wait3A_21 : memref<1x65536xf32, #tpu.memory_space<hbm>> -> memref<65536xf32, #tpu.memory_space<hbm>>
      %dma_wait3A_23 = arith.constant 0 : i32
      %dma_wait3A_24 = tpu.memref_slice %arg6[%add3A, %dma_wait3A_23] : memref<32x65536xf32, #tpu.memory_space<hbm>> -> memref<1x65536xf32, #tpu.memory_space<hbm>>
      %dma_wait3A_25 = tpu.memref_squeeze %dma_wait3A_24 : memref<1x65536xf32, #tpu.memory_space<hbm>> -> memref<65536xf32, #tpu.memory_space<hbm>>
      tpu.wait_dma2 semaphore(%run_scoped3A : memref<!tpu.dma_semaphore, #tpu.memory_space<semaphore_mem>>) src(%arg8 : memref<65536xf32, #tpu.memory_space<vmem>>) dst(%dma_wait3A_25 : memref<65536xf32, #tpu.memory_space<hbm>>)
      tpu.yield
    }) : () -> ()
    return
  }
}

module attributes {stable_mosaic.version = 14 : i64} {
  func.func @_q_body(%arg0: memref<512x128xf32, #tpu.memory_space<vmem>>, %arg1: memref<512x128xf32, #tpu.memory_space<vmem>>, %arg2: memref<512x128xf32, #tpu.memory_space<vmem>>, %arg3: memref<256x128xi32, #tpu.memory_space<vmem>>) attributes {dimension_semantics = [], scalar_prefetch = 0 : i64, scratch_operands = 0 : i64, tpu.core_type = #tpu.core_type<tc>} {
    %get3A = arith.constant 0 : index
    %get3A_0 = arith.constant 0 : index
    %get3A_1 = vector.load %arg2[%get3A, %get3A_0] : memref<512x128xf32, #tpu.memory_space<vmem>>, vector<512x128xf32>
    %get3A_2 = arith.constant 0 : index
    %get3A_3 = arith.constant 0 : index
    %get3A_4 = vector.load %arg1[%get3A_2, %get3A_3] : memref<512x128xf32, #tpu.memory_space<vmem>>, vector<512x128xf32>
    %exp3A = math.exp %get3A_4 : vector<512x128xf32>
    %mul3A = arith.mulf %get3A_1, %exp3A : vector<512x128xf32>
    %get3A_5 = arith.constant 0 : index
    %get3A_6 = arith.constant 0 : index
    %get3A_7 = vector.load %arg0[%get3A_5, %get3A_6] : memref<512x128xf32, #tpu.memory_space<vmem>>, vector<512x128xf32>
    %exp3A_8 = math.exp %get3A_7 : vector<512x128xf32>
    %add3A = arith.addf %mul3A, %exp3A_8 : vector<512x128xf32>
    %bitcast_convert_type3A = tpu.bitcast %add3A : vector<512x128xf32> -> vector<512x128xi32>
    %add3A_9 = arith.constant 32767 : i32
    %add3A_10 = vector.broadcast %add3A_9 : i32 to vector<512x128xi32>
    %add3A_11 = arith.addi %bitcast_convert_type3A, %add3A_10 : vector<512x128xi32>
    %shift_right_logical3A = arith.constant 16 : i32
    %shift_right_logical3A_12 = vector.broadcast %shift_right_logical3A : i32 to vector<512x128xi32>
    %shift_right_logical3A_13 = arith.shrui %bitcast_convert_type3A, %shift_right_logical3A_12 : vector<512x128xi32>
    %and3A = arith.constant 1 : i32
    %and3A_14 = vector.broadcast %and3A : i32 to vector<512x128xi32>
    %and3A_15 = arith.andi %shift_right_logical3A_13, %and3A_14 : vector<512x128xi32>
    %add3A_16 = arith.addi %add3A_11, %and3A_15 : vector<512x128xi32>
    %shift_right_logical3A_17 = arith.constant 16 : i32
    %shift_right_logical3A_18 = vector.broadcast %shift_right_logical3A_17 : i32 to vector<512x128xi32>
    %shift_right_logical3A_19 = arith.shrui %add3A_16, %shift_right_logical3A_18 : vector<512x128xi32>
    %slice3A = vector.extract_strided_slice %shift_right_logical3A_19 {offsets = [0, 0], sizes = [256, 128], strides = [1, 1]} : vector<512x128xi32> to vector<256x128xi32>
    %slice3A_20 = vector.extract_strided_slice %shift_right_logical3A_19 {offsets = [256, 0], sizes = [256, 128], strides = [1, 1]} : vector<512x128xi32> to vector<256x128xi32>
    %shift_left3A = arith.constant 16 : i32
    %shift_left3A_21 = vector.broadcast %shift_left3A : i32 to vector<256x128xi32>
    %shift_left3A_22 = arith.shli %slice3A_20, %shift_left3A_21 : vector<256x128xi32>
    %or3A = arith.ori %shift_left3A_22, %slice3A : vector<256x128xi32>
    %bitcast_convert_type3A_23 = tpu.bitcast %or3A : vector<256x128xi32> -> vector<256x128xi32>
    %swap3A = arith.constant 0 : index
    %swap3A_24 = arith.constant 0 : index
    %swap3A_25 = vector.load %arg3[%swap3A, %swap3A_24] : memref<256x128xi32, #tpu.memory_space<vmem>>, vector<256x128xi32>
    tpu.vector_store %arg3[%swap3A, %swap3A_24], %bitcast_convert_type3A_23 {strides = array<i32>} : memref<256x128xi32, #tpu.memory_space<vmem>>, vector<256x128xi32>,
    return
  }
}

module attributes {stable_mosaic.version = 14 : i64} {
  func.func @_reduce_body(%arg0: i32, %arg1: memref<32x32768xf32, #tpu.memory_space<vmem>>, %arg2: memref<1x32768xf32, #tpu.memory_space<vmem>>) attributes {dimension_semantics = [#tpu.dimension_semantics<arbitrary>], iteration_bounds = array<i64: 2>, scalar_prefetch = 0 : i64, scratch_operands = 0 : i64, tpu.core_type = #tpu.core_type<tc>, window_params = [{transform_indices = @transform_0, window_bounds = array<i64: 32, 32768>}, {transform_indices = @transform_1, window_bounds = array<i64: 1, 32768>}]} {
    %get3A = arith.constant 0 : index
    %get3A_0 = arith.constant 0 : index
    %get3A_1 = vector.load %arg1[%get3A, %get3A_0] : memref<32x32768xf32, #tpu.memory_space<vmem>>, vector<32x32768xf32>
    %reduce_sum3A = arith.constant dense<0.000000e+00> : vector<32768xf32>
    %reduce_sum3A_2 = vector.multi_reduction <add>, %get3A_1, %reduce_sum3A [0] : vector<32x32768xf32> to vector<32768xf32>
    %broadcast_in_dim3A = vector.shape_cast %reduce_sum3A_2 : vector<32768xf32> to vector<1x32768xf32>
    %swap3A = arith.constant 0 : index
    %swap3A_3 = arith.constant 0 : index
    %swap3A_4 = vector.load %arg2[%swap3A, %swap3A_3] : memref<1x32768xf32, #tpu.memory_space<vmem>>, vector<1x32768xf32>
    tpu.vector_store %arg2[%swap3A, %swap3A_3], %broadcast_in_dim3A {strides = array<i32>} : memref<1x32768xf32, #tpu.memory_space<vmem>>, vector<1x32768xf32>,
    return
  }
  func.func @transform_0(%arg0: i32) -> (i32, i32) {
    %c0_i32 = arith.constant 0 : i32
    %c0_i32_0 = arith.constant 0 : i32
    return %c0_i32, %arg0 : i32, i32
  }
  func.func @transform_1(%arg0: i32) -> (i32, i32) {
    %c0_i32 = arith.constant 0 : i32
    %c0_i32_0 = arith.constant 0 : i32
    return %c0_i32, %arg0 : i32, i32
  }
}

</mosaic_0001>

<sc_bundles>
// kernel: kernel.5.cloned.1.call-start
scs
__scs_entry_jumppad:
0x0: {  	(pc) =	sbr.rel $0x88, $3  }
0x1: {  	(tag) =	ssettag $0x0;
	lr =	simm.s32 $0x1  }
0x2: {  	[smem:$0x3F9B] =	sst lr;
	_ =	strace $0xD0000000  }
0x3: {  	_ = 	snop  }
0x4: {  	_ = 	snop  }
0x5: {  	_ = 	snop  }
0x6: {  	_ = 	snop  }
0x7: {  	_ = 	snop  }
__scs_overlays_trampoline_lowered:
0x8: {  	[smem:$0x3FAA] =	sst s0  }
0x9: {  	[smem:$0x3FAB] =	sst s1  }
0xa: {  	[smem:$0x3FAC] =	sst s2  }
0xb: {  	[smem:$0x3FAD] =	sst s3  }
0xc: {  	[smem:$0x3FAE] =	sst s4  }
0xd: {  	[smem:$0x3FAF] =	sst s5  }
0xe: {  	[smem:$0x3FB0] =	sst s6  }
0xf: {  	[smem:$0x3FB1] =	sst s7  }
0x10: {  	[smem:$0x3FB2] =	sst s8  }
0x11: {  	[smem:$0x3FB3] =	sst s9;
	s0 =	simm.s32 @!p0 $0x0  }
0x12: {  	s1 =	sld [smem:$0x3F99];
	s0 =	simm.s32 @p0 $0x1  }
0x13: {  	[smem:$0x3FB4] =	sst s0;
	s0 =	simm.s32 @!p1 $0x0  }
0x14: {  	s2 =	sld [smem:$0x3F98];
	s0 =	simm.s32 @p1 $0x1  }
0x15: {  	[smem:$0x3FB5] =	sst s0;
	s0 =	simm.s32 @!p2 $0x0  }
0x16: {  	s3 =	sld [smem:$0x3FDB];
	s0 =	simm.s32 @p2 $0x1  }
0x17: {  	s4 =	simm.s32 $0x1BF5;
	[smem:$0x3FB7] =	sst s0  }
0x18: {  	s0 =	sld [smem:$0x3F9A];
	_ =	swait.ge [sflag:s4], $0x0  }
0x19: {  	s7 =	sld [smem:$0x3F9B]  }
0x1a: {  	s8 =	sadd.s32 $0xFFFFE003, lr  }
0x1b: {  	s9 =	sadd.s32 $0xFFFFFEF7, lr;
	s5 =	simm.s32 $0xFFFFFFFF;
	p2 =	slt.u32 s8, $0xFFFFF086  }
0x1c: {  	p1 =	slt.u32 s9, $0xF7A;
	s5 =	simm.s32 @!p2 $0x0  }
0x1d: {  	s5 =	simm.s32 @p1 $0x1;
	p0 =	seq.s32 s7, s2  }
0x1e: {  	s7 =	smul.u32 @!p0 $0xF7A, s2;
	p2 =	seq.s32 @!p0 s5, $0x0  }
0x1f: {  	s9 =	smul.u32 $0xF7A, s1;
	s8 =	simm.s32 @!p0 $0x1BF5;
	p2 =	por !p2, p0  }
0x20: {  	[sflag:s8] =	ssyncset.s32 @!p0 $0xFFFFF086;
	s6 =	sadd.s32 @!p0 s3, s7;
	s7 =	simm.s32 @!p0 $0x108  }
0x21: {  	s3 =	sadd.s32 s3, s9;
	s6 =	sadd.s32 @!p0 $0x88, s6;
	s7 =	simm.s32 @p2 $0x1082  }
0x22: {  	[simem:s7], [sflag:s8] =	dma.local @!p0 [hbm:s6], $0xF7A  }
0x23: {  	s9 =	sor.u32 $0xD0000000, s2;
	s6 =	simm.s32 $0x108;
	_ =	swait.ge @!p0 [sflag:s8], $0x0  }
0x24: {  	s3 =	sadd.s32 $0x88, s3;
	s6 =	simm.s32 @!p1 $0x1082;
	[sflag:s4] =	ssyncset.s32 $0xFFFFF086  }
0x25: {  	[simem:s6], [sflag:s4] =	dma.local [hbm:s3], $0xF7A  }
0x26: {  	[smem:$0x3F9B] =	sst s1;
	(tag) =	ssettag s2;
	_ =	strace s9  }
0x27: {  	s1 =	sld [smem:$0x3FAB]  }
0x28: {  	s2 =	sld [smem:$0x3FAC]  }
0x29: {  	s4 =	sld [smem:$0x3FAE]  }
0x2a: {  	p0 =	seq.s32 s5, $0x0;
	s5 =	sld [smem:$0x3FAF]  }
0x2b: {  	s6 =	sld [smem:$0x3FB0]  }
0x2c: {  	s7 =	sld [smem:$0x3FB1]  }
0x2d: {  	s3 =	simm.s32 $0x108;
	s8 =	sld [smem:$0x3FB2]  }
0x2e: {  	s3 =	simm.s32 @!p0 $0x1082;
	s9 =	sld [smem:$0x3FB3]  }
0x2f: {  	lr =	sadd.s32 s0, s3;
	s0 =	sld [smem:$0x3FAA]  }
0x30: {  	s3 =	sld [smem:$0x3FAD]  }
0x31: {  	[smem:$0x3FB6] =	sst s10  }
0x32: {  	s10 =	sld [smem:$0x3FB4];
	_ =	sdelay $0x3  }
0x33: {  	p0 =	seq.s32 s10, $0x1;
	s10 =	sld [smem:$0x3FB6];
	_ =	sdelay $0x3  }
0x34: {  	[smem:$0x3FB6] =	sst s10  }
0x35: {  	s10 =	sld [smem:$0x3FB5];
	_ =	sdelay $0x3  }
0x36: {  	p1 =	seq.s32 s10, $0x1;
	s10 =	sld [smem:$0x3FB6];
	_ =	sdelay $0x3  }
0x37: {  	[smem:$0x3FB6] =	sst s10  }
0x38: {  	s10 =	sld [smem:$0x3FB7]  }
0x39: {  	_ = 	snop;
	(pc) =	sbr.ind lr, $3  }
0x3a: {  	_ = 	snop  }
0x3b: {  	_ = 	snop  }
0x3c: {  	p2 =	seq.s32 s10, $0x1;
	s10 =	sld [smem:$0x3FB6]  }
0x3d: {  	_ =	shalt  }
0x3e: {  	_ =	shalt  }
0x3f: {  	_ =	shalt  }
0x40: {  	_ =	shalt  }
0x41: {  	_ =	shalt  }
0x42: {  	_ =	shalt  }
0x43: {  	_ =	shalt  }
0x44: {  	_ =	shalt  }
0x45: {  	_ =	shalt  }
0x46: {  	_ =	shalt  }
0x47: {  	_ =	shalt  }
0x48: {  	_ =	shalt  }
0x49: {  	_ =	shalt  }
0x4a: {  	_ =	shalt  }
0x4b: {  	_ =	shalt  }
0x4c: {  	_ =	shalt  }
0x4d: {  	_ =	shalt  }
0x4e: {  	_ =	shalt  }
0x4f: {  	_ =	shalt  }
0x50: {  	_ =	shalt  }
0x51: {  	_ =	shalt  }
0x52: {  	_ =	shalt  }
0x53: {  	_ =	shalt  }
0x54: {  	_ =	shalt  }
0x55: {  	_ =	shalt  }
0x56: {  	_ =	shalt  }
0x57: {  	_ =	shalt  }
0x58: {  	_ =	shalt  }
0x59: {  	_ =	shalt  }
0x5a: {  	_ =	shalt  }
0x5b: {  	_ =	shalt  }
0x5c: {  	_ =	shalt  }
0x5d: {  	_ =	shalt  }
0x5e: {  	_ =	shalt  }
0x5f: {  	_ =	shalt  }
0x60: {  	_ =	shalt  }
0x61: {  	_ =	shalt  }
0x62: {  	_ =	shalt  }
0x63: {  	_ =	shalt  }
0x64: {  	_ =	shalt  }
0x65: {  	_ =	shalt  }
0x66: {  	_ =	shalt  }
0x67: {  	_ =	shalt  }
0x68: {  	_ =	shalt  }
0x69: {  	_ =	shalt  }
0x6a: {  	_ =	shalt  }
0x6b: {  	_ =	shalt  }
0x6c: {  	_ =	shalt  }
0x6d: {  	_ =	shalt  }
0x6e: {  	_ =	shalt  }
0x6f: {  	_ =	shalt  }
0x70: {  	_ =	shalt  }
0x71: {  	_ =	shalt  }
0x72: {  	_ =	shalt  }
0x73: {  	_ =	shalt  }
0x74: {  	_ =	shalt  }
0x75: {  	_ =	shalt  }
0x76: {  	_ =	shalt  }
0x77: {  	_ =	shalt  }
0x78: {  	_ =	shalt  }
0x79: {  	_ =	shalt  }
0x7a: {  	_ =	shalt  }
0x7b: {  	_ =	shalt  }
0x7c: {  	_ =	shalt  }
0x7d: {  	_ =	shalt  }
0x7e: {  	_ =	shalt  }
0x7f: {  	_ =	shalt  }
0x80: {  	_ =	shalt  }
0x81: {  	_ =	shalt  }
0x82: {  	_ =	shalt  }
0x83: {  	_ =	shalt  }
0x84: {  	_ =	shalt  }
0x85: {  	_ =	shalt  }
0x86: {  	_ =	shalt  }
0x87: {  	_ =	shalt  }
.Lfunc_end0:
.L_simem_size_0:
called_computation_lowered:
.L_overlay_start_0:
0x88: {  	s2 =	sld [smem:$0x3FD9]  }
0x89: {  	s3 =	sld [smem:$0x3FFE];
	_ =	sdelay $0x1  }
0x8a: {  	s1 =	srdreg.scid  }
0x8b: {  	s0 =	sand.u32 $0x1, s1  }
0x8c: {  	s17 =	sshll.u32 s0, $0xA;
	s2 =	sadd.s32 s3, s2  }
0x8d: {  	s2 =	sadd.s32 s2, s17  }
0x8e: {  	[smem:$0x3FC2] =	sst s2  }
0x8f: {  	_ = 	snop  }
0x90: {  	s2 =	sld [smem:$0x3FC6]  }
0x91: {  	s18 =	sld [smem:$0x3FC5]  }
0x92: {  	s4 =	sld [smem:$0x3FC4]  }
0x93: {  	s5 =	sld [smem:$0x3FD0];
	(tm) =	ssettm $0x1  }
0x94: {  	s6 =	sld [smem:$0x3FFB];
	_ =	sdelay $0x3  }
0x95: {  	_ =	strace s6  }
0x96: {  	s6 =	sld [smem:$0x3FFC];
	_ =	sdelay $0x3  }
0x97: {  	_ =	strace s6  }
0x98: {  	s6 =	sld [smem:$0x3FFD];
	_ =	sdelay $0x3  }
0x99: {  	_ =	strace s6  }
0x9a: {  	_ =	strace $0x8FFFFFFF  }
0x9b: {  	s19 =	sld [smem:$0x3FDB];
	_ =	sdelay $0x1  }
0x9c: {  	s7 =	simm.s32 $_scs_section_size  }
0x9d: {  	s8 =	simm.s32 $_size__tile_overlayer_lowered;
	s9 =	simm.s32 $_tile_overlayer_lowered  }
0x9e: {  	s22 =	simm.s32 $0x1BFF;
	s21 =	sshll.u32 s9, $0x1;
	s6 =	sadd.s32 s7, s19  }
0x9f: {  	s10 =	simm.s32 $0x0;
	s20 =	sshll.u32 s8, $0x1;
	s8 =	sadd.s32 s21, s6  }
0xa0: {  	[timem:s10], [sflag:s22] =	dma.local [hbm:s8], s20  }
0xa1: {  	_ =	swait.ge [sflag:s22], s20  }
0xa2: {  	s7 =	ssub.s32 $0x0, s20;
	[sflag:s22] =	ssyncset.done $0x0  }
0xa3: {  	[sflag:s22] =	ssyncadd.s32 s7;
	_ =	sdelay $0x1  }
0xa4: {  	s23 =	simm.s32 $0x1B8B  }
0xa5: {  	_ =	swait.ge [sflag:s23], $0x1  }
0xa6: {  	[sflag:s23] =	ssyncset.done $0x0  }
0xa7: {  	s25 =	simm.s32 $0x1B8E;
	s24 =	sld [smem:$0x3FFE];
	[sflag:s23] =	ssyncadd.s32 $0xFFFFFFFF  }
0xa8: {  	s26 =	simm.s32 $execute0_lowered;
	[smem:$0x3FD2] =	sst s25  }
0xa9: {  	s8 =	sshll.u32 s26, $0x1;
	_ =	strace $0x80000046;
	[dreg:$0x1] =	wrdreg $0xFFFFFFFF  }
0xaa: {  	s28 =	simm.s32 $_size_execute0_lowered;
	s6 =	sadd.s32 s6, s8;
	[dreg:$0x0] =	wrdreg $0x0  }
0xab: {  	s8 =	sshll.u32 s28, $0x1;
	[dreg:$0x2] =	wrdreg s6  }
0xac: {  	[dreg:$0x3] =	wrdreg s8  }
0xad: {  	[dreg:$0x4] =	wrdreg $0xC0  }
0xae: {  	_ =	task [dreg:s10], $0x5FFFF  }
0xaf: {  	[dreg:$0x1] =	wrdreg $0xFFFFFFFF  }
0xb0: {  	[dreg:$0x0] =	wrdreg $0x60  }
0xb1: {  	[dreg:$0x2] =	wrdreg s5  }
0xb2: {  	[dreg:$0x3] =	wrdreg s2  }
0xb3: {  	[dreg:$0x4] =	wrdreg s18  }
0xb4: {  	[dreg:$0x5] =	wrdreg s4  }
0xb5: {  	[dreg:$0x6] =	wrdreg s24  }
0xb6: {  	[dreg:$0x7] =	wrdreg $0x9  }
0xb7: {  	_ =	task.clear_ibuf [dreg:s10], $0x8FFFF;
	_ =	strace $0x90000046  }
0xb8: {  	s29 =	simm.s32 $0x9;
	_ =	strace $0x80000048  }
0xb9: {  	_ =	swait.ge [sflag:s29], $0x1  }
0xba: {  	[sflag:s29] =	ssyncadd.s32 $0xFFFFFFFF  }
0xbb: {  	_ =	strace $0x90000048  }
0xbc: {  	_ =	sfence  }
0xbd: {  	s30 =	sld [smem:$0x0];
	_ =	sdelay $0x2  }
0xbe: {  	s31 =	sshll.u32 s1, $0xD;
	s1 =	sshrl.u32 s1, $0x2  }
0xbf: {  	s3 =	sand.u32 $0x4000, s31;
	s1 =	sadd.s32 s1, s30  }
0xc0: {  	s0 =	sor.u32 s3, s0;
	s1 =	sshll.u32 s1, $0x11  }
0xc1: {  	s0 =	sor.u32 s1, s0  }
0xc2: {  	s0 =	sadd.s32 $0x8F2B, s0  }
0xc3: {  	[sflag:s0] =	ssyncadd.remote.s32 $0x1  }
0xc4: {  	_ =	sfence.sel $0xFFFF  }
0xc5: {  	[dreg:$0x0] =	wrdreg $0xFFFFFFFF;
	(pc) =	sbr.abs _section_cstart, $3  }
0xc6: {  	[dreg:$0x1] =	wrdreg $0xFFFFFFFF  }
0xc7: {  	_ =	task.clear_ibuf [dreg:s10], $0x2FFFF;
	_ =	strace $0x9FFFFFFF  }
0xc8: {  	(tm) =	ssettm $0x7FFFFFFF  }
0xc9: {  	_ =	shalt  }
tec
execute0_lowered:
.L_overlay_start_1:
0x0: {  	(tag) =	ssettag $0x1  }
0x1: {  	s1 =	rddreg [dreg:$0x0]  }
0x2: {  	s2 =	rddreg [dreg:$0x1]  }
0x3: {  	s3 =	rddreg [dreg:$0x2]  }
0x4: {  	s4 =	rddreg [dreg:$0x3]  }
0x5: {  	s0 =	rddreg [dreg:$0x4];
	s6 =	simm.s32 $0x0;
	s5 =	srdreg.scid  }
0x6: {  	s10 =	stileid.u32;
	s14 =	simm.s32 $0x18000;
	s15 =	simm.s32 $0x19000  }
0x7: {  	s16 =	simm.s32 $0x1A000;
	s17 =	simm.s32 $0x3;
	s18 =	simm.s32 $0x1B000  }
0x8: {  	s19 =	simm.s32 $0x1C000;
	s20 =	simm.s32 $0x1D000;
	s21 =	simm.s32 $0x1  }
0x9: {  	s22 =	simm.s32 $0x8000;
	s23 =	simm.s32 $0x2;
	s24 =	simm.s32 $0x80  }
0xa: {  	s25 =	simm.s32 $0x400;
	s26 =	simm.s32 $0x0;
	[smem:$0x7FF] =	sst s6  }
0xb: {  	s5 =	sand.u32 $0x1, s5;
	s7 =	sshll.u32 s10, $0xE;
	s10 =	sshll.u32 s10, $0x1  }
0xc: {  	_ =	strace $0x80000047;
	s8 =	ssub.s32 $0x2, s5;
	s7 =	sand.u32 $0x30000, s7  }
0xd: {  	s5 =	sor.u32 s5, s10;
	s9 =	sshrl.u32 s8, $0x1;
	s0 =	sadd.s32 s7, s0  }
0xe: {  	s7 =	sshll.u32 s5, $0x11;
	s10 =	sshll.u32 s5, $0xE;
	s5 =	sshll.u32 s5, $0x4  }
0xf: {  	s13 =	ssub.s32 s8, s9;
	s8 =	sadd.s32 s2, s10;
	s5 =	sand.u32 $0x70, s5  }
0x10: {  	s9 =	sadd.s32 s3, s10;
	s10 =	sadd.s32 s4, s10;
	s0 =	sadd.s32 s5, s0  }
0x11: {  	v0 =	vimm.f32 $0.0e+00;
	s11 =	sor.u32 $0x2000, s7;
	s13 =	smax.u32 s13, $0x1;
	s12 =	sadd.s32 $0xE00, s0  }
.LBB2_1:
0x12: {  	[tilespmem:s14], [sflag:$0x1] =	stream.linear.gather [hbm4b:s8+s6], $0x1000, $0x38;
	[tilespmem:$0x1E000] =	vst v63  }
0x13: {  	_ = 	snop  }
0x14: {  	[tilespmem:s15], [sflag:$0x1] =	stream.linear.gather [hbm4b:s9+s6], $0x1000, $0x38;
	[tilespmem:$0x1E000] =	vst v63  }
0x15: {  	_ = 	snop  }
0x16: {  	[tilespmem:s16], [sflag:$0x1] =	stream.linear.gather [hbm4b:s10+s6], $0x1000, $0x38;
	[tilespmem:$0x1E000] =	vst v63  }
0x17: {  	_ = 	snop  }
0x18: {  	[tilespmem:s6], [sflag:$0x3] =	stream.linear.gather [hbm4b:s1+s6], $0x8000, $0x38;
	[tilespmem:$0x1E000] =	vst v63  }
0x19: {  	_ =	swait.ge [sflag:s17], $0x8000  }
0x1a: {  	[sflag:s17] =	ssyncset.done $0x0  }
0x1b: {  	s0 =	simm.s32 $0x8040;
	[sflag:s17] =	ssyncadd.s32 $0xFFFF8000  }
0x1c: {  	[tilespmem:s0+$0xFFFFFFC0] =	vst v0  }
0x1d: {  	[tilespmem:s0+$0x30] =	vst v0  }
0x1e: {  	[tilespmem:s0+$0x20] =	vst v0  }
0x1f: {  	[tilespmem:s0+$0x10] =	vst v0  }
0x20: {  	[tilespmem:s0+$0x0] =	vst v0  }
0x21: {  	[tilespmem:s0+$0xFFFFFFF0] =	vst v0  }
0x22: {  	s5 =	simm.s32 $0x0;
	[tilespmem:s0+$0xFFFFFFE0] =	vst v0  }
.LBB2_2:
0x23: {  	s5 =	sadd.s32 $0x8, s5;
	[tilespmem:s0+$0xFFFFFFD0] =	vst v0;
	s0 =	sadd.s32 $0x80, s0  }
0x24: {  	[tilespmem:s0+$0xFFFFFFC0] =	vst v0;
	p0 =	slt.u32 s5, $0xFF8  }
0x25: {  	[tilespmem:s0+$0x30] =	vst v0  }
.Ltmp0:
0x26: {  	[tilespmem:s0+$0x20] =	vst v0;
	(pc) =	sbr.rel @p0 .LBB2_2-.Ltmp0, $4  }
0x27: {  	[tilespmem:s0+$0x10] =	vst v0  }
0x28: {  	[tilespmem:s0+$0x0] =	vst v0  }
0x29: {  	[tilespmem:s0+$0xFFFFFFF0] =	vst v0  }
0x2a: {  	[tilespmem:s0+$0xFFFFFFE0] =	vst v0  }
0x2b: {  	[tilespmem:s0+$0xFFFFFFD0] =	vst v0;
	s28 =	simm.s32 $0x0  }
.LBB2_4:
0x2c: {  	s29 =	sshll.u32 s28, $0xD  }
0x2d: {  	s0 =	sor.u32 s29, s7  }
0x2e: {  	s0 =	sshrl.u32 s0, $0x3  }
0x2f: {  	s0 =	sor.u32 $0x200, s0  }
0x30: {  	s5 =	sadd.s32 s2, s0  }
0x31: {  	[tilespmem:s18], [sflag:$0x2] =	stream.linear.gather [hbm4b:s5+s6], $0x1000, $0x38;
	[tilespmem:$0x1E000] =	vst v63  }
0x32: {  	s5 =	sadd.s32 s3, s0  }
0x33: {  	[tilespmem:s19], [sflag:$0x2] =	stream.linear.gather [hbm4b:s5+s6], $0x1000, $0x38;
	[tilespmem:$0x1E000] =	vst v63  }
0x34: {  	s0 =	sadd.s32 s4, s0  }
0x35: {  	[tilespmem:s20], [sflag:$0x2] =	stream.linear.gather [hbm4b:s0+s6], $0x1000, $0x38;
	[tilespmem:$0x1E000] =	vst v63  }
0x36: {  	_ =	swait.ge [sflag:s21], $0x1000  }
0x37: {  	[sflag:s21] =	ssyncset.done $0x0  }
0x38: {  	[sflag:s21] =	ssyncadd.s32 $0xFFFFF000  }
0x39: {  	_ =	swait.ge [sflag:s21], $0x1000  }
0x3a: {  	[sflag:s21] =	ssyncset.done $0x0  }
0x3b: {  	[sflag:s21] =	ssyncadd.s32 $0xFFFFF000  }
0x3c: {  	_ =	swait.ge [sflag:s21], $0x1000  }
0x3d: {  	[sflag:s21] =	ssyncset.done $0x0  }
0x3e: {  	s5 =	simm.s32 $0x1A020;
	[sflag:s21] =	ssyncadd.s32 $0xFFFFF000  }
0x3f: {  	v1 =	vld [tilespmem:s5+$0x10];
	_ =	sdelay $0x1  }
0x40: {  	v2 =	vld [tilespmem:s5+$0xFFFFFFF0]  }
0x41: {  	v4 =	vld [tilespmem:s5+$0xFFFFFFE0]  }
0x42: {  	s0 =	simm.s32 $0x19020;
	v5 =	vld [tilespmem:s5+$0x0]  }
0x43: {  	s30 =	simm.s32 $0x1A060;
	v9 =	vld [tilespmem:s0+$0x10];
	v3 =	vand.u32 $0x7FFF, v1  }
0x44: {  	v13 =	vld [tilespmem:s30+$0x10]  }
0x45: {  	v14 =	vld [tilespmem:s30+$0xFFFFFFF0]  }
0x46: {  	s31 =	simm.s32 $0x18060;
	v17 =	vld [tilespmem:s30+$0x0]  }
0x47: {  	v22 =	vld [tilespmem:s31+$0x10];
	v6 =	vand.u32 $0x7FFF, v2  }
0x48: {  	s5 =	simm.s32 $0x18020;
	v7 =	vand.u32 $0x7FFF, v4;
	v3 =	vld.idx.msk [tilespmem:v3+s6+$0x0], $0xffff  }
0x49: {  	v10 =	vld [tilespmem:s5+$0x10];
	v8 =	vand.u32 $0x7FFF, v5  }
0x4a: {  	v12 =	vld [tilespmem:s5+$0xFFFFFFE0]  }
0x4b: {  	v15 =	vld [tilespmem:s5+$0xFFFFFFF0];
	v1 =	vshrl.u32 v1, $0xB  }
0x4c: {  	v1 =	vand.u32 $0x10, v1;
	v6 =	vld.idx.msk [tilespmem:v6+s6+$0x0], $0xffff  }
0x4d: {  	v7 =	vld.idx.msk [tilespmem:v7+s6+$0x0], $0xffff;
	v1 =	vshrl.u32 v3, v1  }
0x4e: {  	v11 =	vld.idx.msk [tilespmem:v8+s6+$0x0], $0xffff;
	v1 =	vshll.u32 v1, $0x10  }
0x4f: {  	v8 =	vand.u32 $0x7FFF, v13;
	v1 =	vmul.f32 v1, v10;
	v10 =	vld [tilespmem:s30+$0xFFFFFFE0]  }
0x50: {  	v16 =	vld [tilespmem:s5+$0x0];
	v18 =	vshrl.u32 v2, $0xB  }
0x51: {  	v4 =	vshrl.u32 v4, $0xB;
	v20 =	vand.u32 $0x7FFF, v17;
	[tilespmem:v9+s22+$0x0] =	vst.idx.add.f32.msk $0xffff, v1;
	v9 =	vand.u32 $0x7FFF, v14  }
0x52: {  	v2 =	vld [tilespmem:s0+$0x0];
	v5 =	vshrl.u32 v5, $0xB;
	v18 =	vand.u32 $0x10, v18;
	v4 =	vand.u32 $0x10, v4  }
0x53: {  	v5 =	vand.u32 $0x10, v5;
	v3 =	vld [tilespmem:s0+$0xFFFFFFE0];
	v6 =	vshrl.u32 v6, v18;
	v4 =	vshrl.u32 v7, v4  }
0x54: {  	v21 =	vld.idx.msk [tilespmem:v8+s6+$0x0], $0xffff;
	v6 =	vshll.u32 v6, $0x10;
	v4 =	vshll.u32 v4, $0x10;
	s30 =	simm.s32 $0x19060;
	v19 =	vand.u32 $0x7FFF, v10  }
0x55: {  	v7 =	vshrl.u32 v11, v5;
	v5 =	vmul.f32 v4, v12;
	v4 =	vmul.f32 v6, v15;
	v8 =	vld [tilespmem:s30+$0x10]  }
0x56: {  	v6 =	vshll.u32 v7, $0x10;
	v7 =	vshrl.u32 v14, $0xB;
	v12 =	vshrl.u32 v13, $0xB;
	v18 =	vld.idx.msk [tilespmem:v9+s6+$0x0], $0xffff  }
0x57: {  	v13 =	vand.u32 $0x10, v7;
	v7 =	vand.u32 $0x10, v12;
	v12 =	vld [tilespmem:s31+$0xFFFFFFE0]  }
0x58: {  	v1 =	vld [tilespmem:s0+$0xFFFFFFF0]  }
0x59: {  	v14 =	vshrl.u32 v17, $0xB;
	v11 =	vld.idx.msk [tilespmem:v19+s6+$0x0], $0xffff  }
0x5a: {  	v6 =	vmul.f32 v6, v16;
	v15 =	vshrl.u32 v21, v7;
	v7 =	vand.u32 $0x10, v14;
	v9 =	vld.idx.msk [tilespmem:v20+s6+$0x0], $0xffff  }
0x5b: {  	v16 =	vshll.u32 v15, $0x10;
	v10 =	vshrl.u32 v10, $0xB;
	v14 =	vshrl.u32 v18, v13;
	v13 =	vld [tilespmem:s31+$0xFFFFFFF0]  }
0x5c: {  	s5 =	simm.s32 $0x1A0A0;
	s0 =	simm.s32 $0x4;
	v16 =	vmul.f32 v16, v22;
	v10 =	vand.u32 $0x10, v10;
	v15 =	vshll.u32 v14, $0x10;
	v14 =	vld [tilespmem:s31+$0x0]  }
.LBB2_5:
0x5d: {  	v17 =	vld [tilespmem:s5+$0x10]  }
0x5e: {  	s0 =	sadd.s32 $0x4, s0;
	v10 =	vshrl.u32 v11, v10;
	[tilespmem:v8+s22+$0x0] =	vst.idx.add.f32.msk $0xffff, v16  }
0x5f: {  	p0 =	slt.u32 s0, $0xFC;
	v10 =	vshll.u32 v10, $0x10;
	v7 =	vshrl.u32 v9, v7;
	v8 =	vld [tilespmem:s5+$0xFFFFFFF0]  }
0x60: {  	v10 =	vmul.f32 v10, v12;
	v7 =	vshll.u32 v7, $0x10;
	v9 =	vld [tilespmem:s5+$0x0];
	v11 =	vmul.f32 v15, v13  }
0x61: {  	v12 =	vld [tilespmem:s5+$0xFFFFFFE0];
	v13 =	vmul.f32 v7, v14  }
0x62: {  	v14 =	vld [tilespmem:s30+$0xFFFFFFE0]  }
0x63: {  	v15 =	vand.u32 $0x7FFF, v17;
	v16 =	vld [tilespmem:s30+$0xFFFFFFF0]  }
0x64: {  	v18 =	vand.u32 $0x7FFF, v8;
	v7 =	vshrl.u32 v8, $0xB;
	v8 =	vld [tilespmem:s30+$0x0]  }
0x65: {  	v19 =	vand.u32 $0x10, v7;
	v20 =	vand.u32 $0x7FFF, v9;
	v7 =	vshrl.u32 v9, $0xB;
	[tilespmem:v3+s22+$0x0] =	vst.idx.add.f32.msk $0xffff, v5;
	v5 =	vmovc v10  }
0x66: {  	v9 =	vand.u32 $0x7FFF, v12;
	v12 =	vshrl.u32 v12, $0xB;
	v7 =	vand.u32 $0x10, v7;
	[tilespmem:v1+s22+$0x0] =	vst.idx.add.f32.msk $0xffff, v4;
	v4 =	vmovc v11  }
0x67: {  	v10 =	vand.u32 $0x10, v12;
	[tilespmem:v2+s22+$0x0] =	vst.idx.add.f32.msk $0xffff, v6;
	v6 =	vmov v13;
	v3 =	vmov v14  }
0x68: {  	v13 =	vld.idx.msk [tilespmem:v15+s6+$0x0], $0xffff;
	v1 =	vmov v16  }
0x69: {  	s30 =	sadd.s32 $0x40, s30;
	v14 =	vld.idx.msk [tilespmem:v18+s6+$0x0], $0xffff;
	v2 =	vmov v8  }
0x6a: {  	s31 =	sadd.s32 $0x40, s31;
	v8 =	vld [tilespmem:s30+$0x10]  }
0x6b: {  	v16 =	vld [tilespmem:s31+$0x10]  }
.Ltmp1:
0x6c: {  	v12 =	vshrl.u32 v17, $0xB;
	v11 =	vld.idx.msk [tilespmem:v9+s6+$0x0], $0xffff;
	(pc) =	sbr.rel @p0 .LBB2_5-.Ltmp1, $4  }
0x6d: {  	v15 =	vand.u32 $0x10, v12;
	v9 =	vld.idx.msk [tilespmem:v20+s6+$0x0], $0xffff  }
0x6e: {  	v15 =	vshrl.u32 v13, v15;
	v12 =	vld [tilespmem:s31+$0xFFFFFFE0]  }
0x6f: {  	v14 =	vshrl.u32 v14, v19;
	v17 =	vshll.u32 v15, $0x10;
	v13 =	vld [tilespmem:s31+$0xFFFFFFF0]  }
0x70: {  	s5 =	sadd.s32 $0x40, s5;
	v15 =	vshll.u32 v14, $0x10;
	v14 =	vld [tilespmem:s31+$0x0];
	v16 =	vmul.f32 v17, v16  }
0x71: {  	v17 =	vld [tilespmem:s30+$0xFFFFFFE0]  }
0x72: {  	v18 =	vld [tilespmem:s30+$0xFFFFFFF0]  }
0x73: {  	v19 =	vld [tilespmem:s30+$0x0];
	_ =	sdelay $0x1  }
0x74: {  	v10 =	vshrl.u32 v11, v10;
	[tilespmem:v3+s22+$0x0] =	vst.idx.add.f32.msk $0xffff, v5  }
0x75: {  	[tilespmem:v8+s22+$0x0] =	vst.idx.add.f32.msk $0xffff, v16;
	v8 =	vshll.u32 v10, $0x10  }
0x76: {  	[tilespmem:v1+s22+$0x0] =	vst.idx.add.f32.msk $0xffff, v4;
	v3 =	vshrl.u32 v9, v7;
	v5 =	vmul.f32 v8, v12  }
0x77: {  	[tilespmem:v2+s22+$0x0] =	vst.idx.add.f32.msk $0xffff, v6;
	p0 =	seq.s32 s28, $0xF;
	v3 =	vshll.u32 v3, $0x10;
	v1 =	vmul.f32 v15, v13  }
0x78: {  	s0 =	sadd.s32 @!p0 s29, s11;
	v2 =	vmul.f32 v3, v14;
	[tilespmem:v17+s22+$0x0] =	vst.idx.add.f32.msk $0xffff, v5  }
0x79: {  	s0 =	sshrl.u32 @!p0 s0, $0x3;
	[tilespmem:v18+s22+$0x0] =	vst.idx.add.f32.msk $0xffff, v1  }
0x7a: {  	s29 =	simm.s32 @!p0 $0x0;
	s30 =	simm.s32 @!p0 $0x18000;
	s5 =	sadd.s32 @!p0 s2, s0;
	[tilespmem:v19+s22+$0x0] =	vst.idx.add.f32.msk $0xffff, v2  }
0x7b: {  	[tilespmem:s30], [sflag:$0x1] =	stream.linear.gather @!p0 [hbm4b:s5+s29], $0x1000, $0x38;
	[tilespmem:$0x1E000] =	vst v63  }
0x7c: {  	s5 =	sadd.s32 @!p0 s3, s0;
	s30 =	simm.s32 @!p0 $0x19000  }
0x7d: {  	[tilespmem:s30], [sflag:$0x1] =	stream.linear.gather @!p0 [hbm4b:s5+s29], $0x1000, $0x38;
	[tilespmem:$0x1E000] =	vst v63  }
0x7e: {  	s0 =	sadd.s32 @!p0 s4, s0;
	s5 =	simm.s32 @!p0 $0x1A000  }
0x7f: {  	[tilespmem:s5], [sflag:$0x1] =	stream.linear.gather @!p0 [hbm4b:s0+s29], $0x1000, $0x38;
	[tilespmem:$0x1E000] =	vst v63  }
0x80: {  	_ =	swait.ge [sflag:s23], $0x1000  }
0x81: {  	[sflag:s23] =	ssyncset.done $0x0  }
0x82: {  	[sflag:s23] =	ssyncadd.s32 $0xFFFFF000  }
0x83: {  	_ =	swait.ge [sflag:s23], $0x1000  }
0x84: {  	[sflag:s23] =	ssyncset.done $0x0  }
0x85: {  	[sflag:s23] =	ssyncadd.s32 $0xFFFFF000  }
0x86: {  	_ =	swait.ge [sflag:s23], $0x1000  }
0x87: {  	[sflag:s23] =	ssyncset.done $0x0  }
0x88: {  	s5 =	simm.s32 $0x1D020;
	[sflag:s23] =	ssyncadd.s32 $0xFFFFF000  }
0x89: {  	v1 =	vld [tilespmem:s5+$0x10];
	_ =	sdelay $0x1  }
0x8a: {  	v2 =	vld [tilespmem:s5+$0xFFFFFFF0]  }
0x8b: {  	v4 =	vld [tilespmem:s5+$0xFFFFFFE0]  }
0x8c: {  	s0 =	simm.s32 $0x1C020;
	v5 =	vld [tilespmem:s5+$0x0]  }
0x8d: {  	s31 =	simm.s32 $0x1B020;
	v9 =	vld [tilespmem:s0+$0x10];
	v3 =	vand.u32 $0x7FFF, v1  }
0x8e: {  	v10 =	vld [tilespmem:s31+$0x10]  }
0x8f: {  	s29 =	simm.s32 $0x1D060;
	v12 =	vld [tilespmem:s31+$0xFFFFFFE0]  }
0x90: {  	v13 =	vld [tilespmem:s29+$0x10]  }
0x91: {  	v14 =	vld [tilespmem:s29+$0xFFFFFFF0]  }
0x92: {  	v3 =	vld.idx.msk [tilespmem:v3+s6+$0x0], $0xffff  }
0x93: {  	v15 =	vld [tilespmem:s31+$0xFFFFFFF0];
	v8 =	vand.u32 $0x7FFF, v5  }
0x94: {  	v16 =	vld [tilespmem:s31+$0x0];
	v6 =	vand.u32 $0x7FFF, v2  }
0x95: {  	v17 =	vld [tilespmem:s29+$0xFFFFFFE0];
	v7 =	vand.u32 $0x7FFF, v4;
	v1 =	vshrl.u32 v1, $0xB  }
0x96: {  	s30 =	simm.s32 $0x1B060;
	v18 =	vld [tilespmem:s29+$0x0];
	v1 =	vand.u32 $0x10, v1  }
0x97: {  	v22 =	vld [tilespmem:s30+$0x10];
	v1 =	vshrl.u32 v3, v1  }
0x98: {  	v11 =	vld.idx.msk [tilespmem:v8+s6+$0x0], $0xffff;
	v8 =	vand.u32 $0x7FFF, v13;
	v1 =	vshll.u32 v1, $0x10  }
0x99: {  	v6 =	vld.idx.msk [tilespmem:v6+s6+$0x0], $0xffff;
	v1 =	vmul.f32 v1, v10  }
0x9a: {  	v19 =	vand.u32 $0x7FFF, v17;
	v7 =	vld.idx.msk [tilespmem:v7+s6+$0x0], $0xffff  }
0x9b: {  	[tilespmem:v9+s22+$0x0] =	vst.idx.add.f32.msk $0xffff, v1;
	v9 =	vand.u32 $0x7FFF, v14  }
0x9c: {  	v3 =	vld [tilespmem:s0+$0xFFFFFFE0]  }
0x9d: {  	s29 =	simm.s32 $0x1C060;
	v4 =	vshrl.u32 v4, $0xB;
	v20 =	vand.u32 $0x7FFF, v18;
	v5 =	vshrl.u32 v5, $0xB;
	v21 =	vld.idx.msk [tilespmem:v8+s6+$0x0], $0xffff  }
0x9e: {  	v4 =	vand.u32 $0x10, v4;
	v5 =	vand.u32 $0x10, v5;
	v8 =	vld [tilespmem:s29+$0x10];
	v10 =	vshrl.u32 v2, $0xB  }
0x9f: {  	v4 =	vshrl.u32 v7, v4;
	v7 =	vshrl.u32 v11, v5;
	v11 =	vld.idx.msk [tilespmem:v19+s6+$0x0], $0xffff;
	v10 =	vand.u32 $0x10, v10  }
0xa0: {  	v4 =	vshll.u32 v4, $0x10;
	v6 =	vshrl.u32 v6, v10;
	v9 =	vld.idx.msk [tilespmem:v9+s6+$0x0], $0xffff  }
0xa1: {  	v2 =	vld [tilespmem:s0+$0x0];
	v5 =	vmul.f32 v4, v12;
	v12 =	vshrl.u32 v13, $0xB;
	v6 =	vshll.u32 v6, $0x10  }
0xa2: {  	v1 =	vld [tilespmem:s0+$0xFFFFFFF0];
	v4 =	vmul.f32 v6, v15;
	v6 =	vshll.u32 v7, $0x10;
	v7 =	vshrl.u32 v14, $0xB  }
0xa3: {  	v10 =	vld.idx.msk [tilespmem:v20+s6+$0x0], $0xffff;
	v14 =	vshrl.u32 v18, $0xB;
	v13 =	vand.u32 $0x10, v7;
	v7 =	vand.u32 $0x10, v12  }
0xa4: {  	v15 =	vshrl.u32 v17, $0xB;
	v6 =	vmul.f32 v6, v16;
	v12 =	vld [tilespmem:s30+$0xFFFFFFE0];
	v16 =	vshrl.u32 v21, v7  }
0xa5: {  	v7 =	vand.u32 $0x10, v14;
	v16 =	vshll.u32 v16, $0x10;
	v14 =	vshrl.u32 v9, v13;
	v13 =	vld [tilespmem:s30+$0xFFFFFFF0]  }
0xa6: {  	s5 =	simm.s32 $0x1D0A0;
	s0 =	simm.s32 $0x4;
	v16 =	vmul.f32 v16, v22;
	v9 =	vand.u32 $0x10, v15;
	v15 =	vshll.u32 v14, $0x10;
	v14 =	vld [tilespmem:s30+$0x0]  }
.LBB2_7:
0xa7: {  	v17 =	vld [tilespmem:s5+$0x10]  }
0xa8: {  	s0 =	sadd.s32 $0x4, s0;
	v9 =	vshrl.u32 v11, v9;
	[tilespmem:v8+s22+$0x0] =	vst.idx.add.f32.msk $0xffff, v16  }
0xa9: {  	p0 =	slt.u32 s0, $0xFC;
	v9 =	vshll.u32 v9, $0x10;
	v7 =	vshrl.u32 v10, v7;
	v8 =	vld [tilespmem:s5+$0xFFFFFFF0]  }
0xaa: {  	v9 =	vmul.f32 v9, v12;
	v7 =	vshll.u32 v7, $0x10;
	v10 =	vld [tilespmem:s5+$0x0];
	v11 =	vmul.f32 v15, v13  }
0xab: {  	v12 =	vld [tilespmem:s5+$0xFFFFFFE0];
	v13 =	vmul.f32 v7, v14  }
0xac: {  	v14 =	vld [tilespmem:s29+$0xFFFFFFE0]  }
0xad: {  	v15 =	vand.u32 $0x7FFF, v17;
	v16 =	vld [tilespmem:s29+$0xFFFFFFF0]  }
0xae: {  	v18 =	vand.u32 $0x7FFF, v8;
	v7 =	vshrl.u32 v8, $0xB;
	v8 =	vld [tilespmem:s29+$0x0]  }
0xaf: {  	v19 =	vand.u32 $0x10, v7;
	v20 =	vand.u32 $0x7FFF, v10;
	v7 =	vshrl.u32 v10, $0xB;
	[tilespmem:v3+s22+$0x0] =	vst.idx.add.f32.msk $0xffff, v5;
	v5 =	vmovc v9  }
0xb0: {  	v10 =	vand.u32 $0x7FFF, v12;
	v12 =	vshrl.u32 v12, $0xB;
	v7 =	vand.u32 $0x10, v7;
	[tilespmem:v1+s22+$0x0] =	vst.idx.add.f32.msk $0xffff, v4;
	v4 =	vmovc v11  }
0xb1: {  	v9 =	vand.u32 $0x10, v12;
	[tilespmem:v2+s22+$0x0] =	vst.idx.add.f32.msk $0xffff, v6;
	v6 =	vmov v13;
	v3 =	vmov v14  }
0xb2: {  	v13 =	vld.idx.msk [tilespmem:v15+s6+$0x0], $0xffff;
	v1 =	vmov v16  }
0xb3: {  	s29 =	sadd.s32 $0x40, s29;
	v14 =	vld.idx.msk [tilespmem:v18+s6+$0x0], $0xffff;
	v2 =	vmov v8  }
0xb4: {  	s30 =	sadd.s32 $0x40, s30;
	v8 =	vld [tilespmem:s29+$0x10]  }
0xb5: {  	v16 =	vld [tilespmem:s30+$0x10]  }
.Ltmp2:
0xb6: {  	v12 =	vshrl.u32 v17, $0xB;
	v11 =	vld.idx.msk [tilespmem:v10+s6+$0x0], $0xffff;
	(pc) =	sbr.rel @p0 .LBB2_7-.Ltmp2, $4  }
0xb7: {  	v15 =	vand.u32 $0x10, v12;
	v10 =	vld.idx.msk [tilespmem:v20+s6+$0x0], $0xffff  }
0xb8: {  	v15 =	vshrl.u32 v13, v15;
	v12 =	vld [tilespmem:s30+$0xFFFFFFE0]  }
0xb9: {  	v14 =	vshrl.u32 v14, v19;
	v17 =	vshll.u32 v15, $0x10;
	v13 =	vld [tilespmem:s30+$0xFFFFFFF0]  }
0xba: {  	s5 =	sadd.s32 $0x40, s5;
	v15 =	vshll.u32 v14, $0x10;
	v14 =	vld [tilespmem:s30+$0x0];
	v16 =	vmul.f32 v17, v16  }
0xbb: {  	v17 =	vld [tilespmem:s29+$0xFFFFFFE0]  }
0xbc: {  	v18 =	vld [tilespmem:s29+$0xFFFFFFF0]  }
0xbd: {  	v19 =	vld [tilespmem:s29+$0x0];
	_ =	sdelay $0x1  }
0xbe: {  	v62 =	vshrl.u32 v11, v9;
	[tilespmem:v3+s22+$0x0] =	vst.idx.add.f32.msk $0xffff, v5;
	s28 =	sadd.s32 $0x1, s28  }
0xbf: {  	[tilespmem:v8+s22+$0x0] =	vst.idx.add.f32.msk $0xffff, v16;
	v8 =	vshll.u32 v62, $0x10;
	p0 =	sne.s32 s28, $0x10  }
.Ltmp3:
0xc0: {  	[tilespmem:v1+s22+$0x0] =	vst.idx.add.f32.msk $0xffff, v4;
	v3 =	vshrl.u32 v10, v7;
	v63 =	vmul.f32 v8, v12;
	(pc) =	sbr.rel @p0 .LBB2_4-.Ltmp3, $4  }
0xc1: {  	[tilespmem:v2+s22+$0x0] =	vst.idx.add.f32.msk $0xffff, v6;
	v3 =	vshll.u32 v3, $0x10;
	v1 =	vmul.f32 v15, v13  }
0xc2: {  	v2 =	vmul.f32 v3, v14;
	[tilespmem:v17+s22+$0x0] =	vst.idx.add.f32.msk $0xffff, v63  }
0xc3: {  	[tilespmem:v18+s22+$0x0] =	vst.idx.add.f32.msk $0xffff, v1  }
0xc4: {  	[tilespmem:v19+s22+$0x0] =	vst.idx.add.f32.msk $0xffff, v2  }
0xc5: {  	s26 =	sadd.s32 $0x1, s26  }
0xc6: {  	p0 =	sne.s32 s26, s13  }
.Ltmp4:
0xc7: {  	_ = 	snop;
	(pc) =	sbr.rel @p0 .LBB2_1-.Ltmp4, $4  }
0xc8: {  	[hbm4b:s12+s24] =	stream.strided.scatter [tilespmem:s22], [sflag:$0x3], $0x10000, s25, s24, $0x38;
	[tilespmem:$0x1E000] =	vst v63  }
0xc9: {  	_ =	swait.ge [sflag:s17], $0x10000  }
0xca: {  	[sflag:s17] =	ssyncset.done $0x0  }
0xcb: {  	[sflag:s17] =	ssyncadd.s32 $0xFFFF0000  }
0xcc: {  	_ =	sfence.sel $0x180000  }
0xcd: {  	[bflag:$0x0] =	sbarrier.arrive $0xFFFF  }
0xce: {  	_ =	strace $0x90000047  }
0xcf: {  	s0 =	stileid.u32;
	[bflag:$0x2] =	sbarrier.arrive $0xFFFF  }
0xd0: {  	p0 =	sne.s32 s0, $0x0;
	s0 =	rddreg [dreg:$0x5]  }
0xd1: {  	s0 =	sadd.s32 @!p0 $0x100000, s0  }
0xd2: {  	[sflag:s0] =	ssyncadd.tile.s32 @!p0 $0x1;
	_ =	shalt  }
.Lfunc_end2:
_tile_overlayer_lowered:
.L_overlay_start_2:
0xd3: {  	(tag) =	ssettag $0x2  }
0xd4: {  	s0 =	rddreg [dreg:$0x0];
	s2 =	stileid.u32  }
0xd5: {  	s1 =	rddreg [dreg:$0x1];
	p0 =	sne.s32 s2, $0x0  }
0xd6: {  	s3 =	rddreg [dreg:$0x2];
	[bflag:$0x3] =	sbarrier.arrive $0xFFFF;
	s2 =	simm.s32 @!p0 $0x1C03  }
0xd7: {  	[timem:s3], [sflag:s2] =	dma.local @!p0 [hbm:s0], s1  }
0xd8: {  	s0 =	simm.s32 @!p0 $0x3  }
0xd9: {  	_ =	swait.ge @!p0 [sflag:s0], s1  }
0xda: {  	s1 =	ssub.s32 @!p0 $0x0, s1;
	[sflag:s0] =	ssyncset.done @!p0 $0x0  }
0xdb: {  	[sflag:s0] =	ssyncadd.s32 @!p0 s1  }
0xdc: {  	[bflag:$0x3] =	sbarrier.arrive $0xFFFF  }
0xdd: {  	_ =	shalt  }

</sc_bundles>
